<compile_context>
chip_gen: v7x
topology: tpu7x:2x2x1
jax: 0.10.2.dev20260603
libtpu: 0.0.44.dev20260713+nightly
codegen_flags: <defaults>
</compile_context>

<pallas_src>
import functools

import jax
import jax.numpy as jnp
from jax import lax
from jax.experimental import pallas as pl
from jax.experimental.pallas import tpu as pltpu
from jax.experimental.pallas import tpu_sc as plsc

_NC = 2
_NS = 16
_NW = _NC * _NS
_CHUNK = 128


def _make_sc_gather(vocab: int, embed: int, n_idx: int):
  per_w = n_idx // _NW
  n_chunks = per_w // _CHUNK
  mesh = plsc.VectorSubcoreMesh(
      core_axis_name="c", subcore_axis_name="s",
      num_cores=_NC, num_subcores=_NS)

  @functools.partial(
      pl.kernel,
      mesh=mesh,
      compiler_params=pltpu.CompilerParams(use_tc_tiling_on_sc=False),
      out_type=jax.ShapeDtypeStruct((_NW, n_chunks, _CHUNK, embed),
                                    jnp.float32),
      scratch_types=[
          pltpu.VMEM((n_chunks, _CHUNK), jnp.int32),
          pltpu.VMEM((n_chunks, _CHUNK, embed), jnp.float32),
          pltpu.SemaphoreType.DMA,
      ],
  )
  def sc_gather(table_hbm, idx_hbm, out_hbm, idx_v, rows_v, sem):
    wid = lax.axis_index("s") * _NC + lax.axis_index("c")
    pltpu.sync_copy(idx_hbm.at[wid], idx_v)
    copies = [
        pltpu.async_copy(table_hbm.at[idx_v.at[j]], rows_v.at[j], sem)
        for j in range(n_chunks)
    ]
    for c in copies:
      c.wait()
    pltpu.sync_copy(rows_v, out_hbm.at[wid])

  return sc_gather


_NBUF = 3


def _make_mlp_body(b_tile, n_tiles):
  def body(flat_ref, w1_ref, b1_ref, w2_ref, b2_ref, out_hbm, buf, sems):
    i = pl.program_id(0)
    slot = lax.rem(i, _NBUF)

    @pl.when(i >= _NBUF)
    def _():
      pltpu.make_async_copy(
          buf.at[slot], out_hbm.at[pl.ds(0, b_tile)], sems.at[slot]).wait()

    h = jnp.tanh(
        jnp.dot(flat_ref[...], w1_ref[...], preferred_element_type=jnp.float32)
        + b1_ref[...])
    buf[slot] = (
        jnp.dot(h, w2_ref[...], preferred_element_type=jnp.float32)
        + b2_ref[...])
    for r in range(b_tile // 8):
      pltpu.make_async_copy(
          buf.at[slot].at[pl.ds(r * 8, 8)],
          out_hbm.at[pl.ds(i * b_tile + r * 8, 8)],
          sems.at[slot]).start()

    @pl.when(i == n_tiles - 1)
    def _():
      for d in range(min(_NBUF, n_tiles)):
        s = (n_tiles - 1 - d) % _NBUF
        pltpu.make_async_copy(
            buf.at[s], out_hbm.at[pl.ds(0, b_tile)], sems.at[s]).wait()

  return body


def _mlp(flat, W1, b1, W2, b2, b_tile: int, interpret: bool = False):
  batch, feat = flat.shape
  hidden, vocab = W2.shape
  n_tiles = batch // b_tile
  return pl.pallas_call(
      _make_mlp_body(b_tile, n_tiles),
      grid=(n_tiles,),
      in_specs=[
          pl.BlockSpec((b_tile, feat), lambda i: (i, 0)),
          pl.BlockSpec((feat, hidden), lambda i: (0, 0)),
          pl.BlockSpec((1, hidden), lambda i: (0, 0)),
          pl.BlockSpec((hidden, vocab), lambda i: (0, 0)),
          pl.BlockSpec((1, vocab), lambda i: (0, 0)),
      ],
      out_specs=pl.BlockSpec(memory_space=pl.ANY),
      out_shape=jax.ShapeDtypeStruct((batch, vocab), jnp.float32),
      scratch_shapes=[
          pltpu.VMEM((_NBUF, b_tile, vocab), jnp.float32),
          pltpu.SemaphoreType.DMA((_NBUF,)),
      ],
      compiler_params=pltpu.CompilerParams(vmem_limit_bytes=100 * 1024 * 1024),
      interpret=interpret,
  )(flat, W1, b1.reshape(1, hidden), W2, b2.reshape(1, vocab))


def kernel(x, embedding, W1, b1, W2, b2):
  batch, ctx = x.shape
  vocab, embed = embedding.shape
  n_idx = batch * ctx

  per_w = n_idx // _NW
  idx = x.reshape(_NW, per_w // _CHUNK, _CHUNK)
  gathered = _make_sc_gather(vocab, embed, n_idx)(embedding, idx)
  flat = gathered.reshape(batch, ctx * embed)
  return _mlp(flat, W1, b1, W2, b2, b_tile=32)

# --- scband reference (transcript-rebuilt; emitter-appended) ---
"""Pipeline reference for scband-nplm-69561290326018 (READ-ONLY COPY).

The authoritative reference and input builder live on the scoring server;
editing this copy changes nothing except your own understanding.
"""

import jax, jax.numpy as jnp
import numpy as np

VOCAB = 100000
EMBED = 16
HIDDEN = 32
CTX = 20
BATCH = 1024


def setup_inputs(seed: int = 0) -> dict:
    key = jax.random.key(seed)
    k1, k2, k3, k4 = jax.random.split(key, 4)
    x = jax.random.randint(k1, (BATCH, CTX), 0, VOCAB, dtype=jnp.int32)
    embedding = jax.random.normal(k2, (VOCAB, EMBED), dtype=jnp.float32) * 0.02
    W1 = jax.random.normal(k3, (CTX * EMBED, HIDDEN), dtype=jnp.float32) * 0.05
    b1 = jnp.zeros((HIDDEN,), dtype=jnp.float32)
    W2 = jax.random.normal(k4, (HIDDEN, VOCAB), dtype=jnp.float32) * 0.05
    b2 = jnp.zeros((VOCAB,), dtype=jnp.float32)
    return {"x": x, "embedding": embedding, "W1": W1, "b1": b1, "W2": W2, "b2": b2}


def reference(x, embedding, W1, b1, W2, b2):
    # Embedding lookup: [B, CTX] -> [B, CTX, EMBED]
    embeds = jnp.take(embedding, x, axis=0)
    # Flatten context window: [B, CTX*EMBED]
    flat = embeds.reshape(-1, CTX * EMBED)
    # Hidden layer with tanh activation
    h = jnp.tanh(flat @ W1 + b1)
    # Output logits over vocab
    return h @ W2 + b2

if __name__ == "__main__":
    import jax
    _d = setup_inputs()
    print(jax.jit(kernel)(*tuple(_d.values())))

</pallas_src>

<mosaic_0001>
#map = affine_map<(d0, d1) -> (0, 0)>
#map1 = affine_map<(d0, d1) -> (0, 0, 0)>
#map2 = affine_map<(d0, d1) -> (0, 0, 0, 0)>
module attributes {stable_mosaic.version = 14 : i64} {
  func.func @sc_gather(%arg0: i32, %arg1: i32, %arg2: memref<100000x16xf32, #tpu.memory_space<hbm>>, %arg3: memref<32x5x128xi32, #tpu.memory_space<hbm>>, %arg4: memref<32x5x128x16xf32, #tpu.memory_space<hbm>>, %arg5: memref<5x128xi32, #tpu.memory_space<vmem>>, %arg6: memref<5x128x16xf32, #tpu.memory_space<vmem>>, %arg7: memref<!tpu.dma_semaphore, #tpu.memory_space<semaphore_mem>>) attributes {dimension_semantics = [#tpu.dimension_semantics<core_parallel>, #tpu.dimension_semantics<subcore_parallel>], iteration_bounds = array<i64: 2, 16>, scalar_prefetch = 0 : i64, scratch_operands = 3 : i64, tpu.core_type = #tpu.core_type<sc_vector_subcore>, window_params = [{transform_indices = #map}, {transform_indices = #map1}, {transform_indices = #map2}]} {
    %mul3A = arith.constant 2 : i32
    %mul3A_0 = arith.muli %arg1, %mul3A : i32
    %add3A = arith.addi %mul3A_0, %arg0 : i32
    "tpu.region"() ({
      %run_scoped3A = tpu.sem_alloc : memref<!tpu.dma_semaphore, #tpu.memory_space<semaphore_mem>>
      %dma_start3A_119 = arith.constant 0 : i32
      %dma_start3A_120 = arith.constant 0 : i32
      %dma_start3A_121 = tpu.memref_slice %arg3[%add3A, %dma_start3A_119, %dma_start3A_120] : memref<32x5x128xi32, #tpu.memory_space<hbm>> -> memref<1x5x128xi32, #tpu.memory_space<hbm>>
      %dma_start3A_122 = tpu.memref_squeeze %dma_start3A_121 : memref<1x5x128xi32, #tpu.memory_space<hbm>> -> memref<5x128xi32, #tpu.memory_space<hbm>>
      %dma_start3A_123 = arith.constant 0 : i32
      %dma_start3A_124 = arith.constant 0 : i32
      %dma_start3A_125 = tpu.memref_slice %arg3[%add3A, %dma_start3A_123, %dma_start3A_124] : memref<32x5x128xi32, #tpu.memory_space<hbm>> -> memref<1x5x128xi32, #tpu.memory_space<hbm>>
      %dma_start3A_126 = tpu.memref_squeeze %dma_start3A_125 : memref<1x5x128xi32, #tpu.memory_space<hbm>> -> memref<5x128xi32, #tpu.memory_space<hbm>>
      tpu.enqueue_dma source(%dma_start3A_126 : memref<5x128xi32, #tpu.memory_space<hbm>>) target(%arg5 : memref<5x128xi32, #tpu.memory_space<vmem>>) target_semaphore(%run_scoped3A : memref<!tpu.dma_semaphore, #tpu.memory_space<semaphore_mem>>)
      %dma_wait3A_127 = arith.constant 0 : i32
      %dma_wait3A_128 = arith.constant 0 : i32
      %dma_wait3A_129 = tpu.memref_slice %arg3[%add3A, %dma_wait3A_127, %dma_wait3A_128] : memref<32x5x128xi32, #tpu.memory_space<hbm>> -> memref<1x5x128xi32, #tpu.memory_space<hbm>>
      %dma_wait3A_130 = tpu.memref_squeeze %dma_wait3A_129 : memref<1x5x128xi32, #tpu.memory_space<hbm>> -> memref<5x128xi32, #tpu.memory_space<hbm>>
      %dma_wait3A_131 = arith.constant 0 : i32
      %dma_wait3A_132 = arith.constant 0 : i32
      %dma_wait3A_133 = tpu.memref_slice %arg3[%add3A, %dma_wait3A_131, %dma_wait3A_132] : memref<32x5x128xi32, #tpu.memory_space<hbm>> -> memref<1x5x128xi32, #tpu.memory_space<hbm>>
      %dma_wait3A_134 = tpu.memref_squeeze %dma_wait3A_133 : memref<1x5x128xi32, #tpu.memory_space<hbm>> -> memref<5x128xi32, #tpu.memory_space<hbm>>
      tpu.wait_dma2 semaphore(%run_scoped3A : memref<!tpu.dma_semaphore, #tpu.memory_space<semaphore_mem>>) src(%dma_wait3A_134 : memref<5x128xi32, #tpu.memory_space<hbm>>) dst(%arg5 : memref<5x128xi32, #tpu.memory_space<vmem>>)
      tpu.yield
    }) : () -> ()
    %dma_start3A = arith.constant 0 : i32
    %dma_start3A_1 = arith.constant 0 : i32
    %dma_start3A_2 = arith.constant 0 : i32
    %dma_start3A_3 = arith.constant 0 : i32
    %dma_start3A_4 = tpu.memref_slice %arg6[%dma_start3A_1, %dma_start3A_2, %dma_start3A_3] : memref<5x128x16xf32, #tpu.memory_space<vmem>> -> memref<1x128x16xf32, #tpu.memory_space<vmem>>
    %dma_start3A_5 = tpu.memref_squeeze %dma_start3A_4 : memref<1x128x16xf32, #tpu.memory_space<vmem>> -> memref<128x16xf32, #tpu.memory_space<vmem>>
    %dma_start3A_6 = arith.constant 0 : i32
    %dma_start3A_7 = tpu.memref_slice %arg5[%dma_start3A, %dma_start3A_6] : memref<5x128xi32, #tpu.memory_space<vmem>> -> memref<1x128xi32, #tpu.memory_space<vmem>>
    %dma_start3A_8 = tpu.memref_squeeze %dma_start3A_7 : memref<1x128xi32, #tpu.memory_space<vmem>> -> memref<128xi32, #tpu.memory_space<vmem>>
    %dma_start3A_9 = arith.constant 0 : i32
    %dma_start3A_10 = arith.constant 0 : i32
    %dma_start3A_11 = tpu.memref_slice %arg2[%dma_start3A_9, %dma_start3A_10] : memref<100000x16xf32, #tpu.memory_space<hbm>> -> memref<100000x16xf32, #tpu.memory_space<hbm>>
    tpu.enqueue_indirect_dma source(%dma_start3A_11 : memref<100000x16xf32, #tpu.memory_space<hbm>>) target(%dma_start3A_5 : memref<128x16xf32, #tpu.memory_space<vmem>>) offsets(%dma_start3A_8 : memref<128xi32, #tpu.memory_space<vmem>>) semaphore(%arg7 : memref<!tpu.dma_semaphore, #tpu.memory_space<semaphore_mem>>)
    %dma_start3A_12 = arith.constant 1 : i32
    %dma_start3A_13 = arith.constant 1 : i32
    %dma_start3A_14 = arith.constant 0 : i32
    %dma_start3A_15 = arith.constant 0 : i32
    %dma_start3A_16 = tpu.memref_slice %arg6[%dma_start3A_13, %dma_start3A_14, %dma_start3A_15] : memref<5x128x16xf32, #tpu.memory_space<vmem>> -> memref<1x128x16xf32, #tpu.memory_space<vmem>>
    %dma_start3A_17 = tpu.memref_squeeze %dma_start3A_16 : memref<1x128x16xf32, #tpu.memory_space<vmem>> -> memref<128x16xf32, #tpu.memory_space<vmem>>
    %dma_start3A_18 = arith.constant 0 : i32
    %dma_start3A_19 = tpu.memref_slice %arg5[%dma_start3A_12, %dma_start3A_18] : memref<5x128xi32, #tpu.memory_space<vmem>> -> memref<1x128xi32, #tpu.memory_space<vmem>>
    %dma_start3A_20 = tpu.memref_squeeze %dma_start3A_19 : memref<1x128xi32, #tpu.memory_space<vmem>> -> memref<128xi32, #tpu.memory_space<vmem>>
    %dma_start3A_21 = arith.constant 0 : i32
    %dma_start3A_22 = arith.constant 0 : i32
    %dma_start3A_23 = tpu.memref_slice %arg2[%dma_start3A_21, %dma_start3A_22] : memref<100000x16xf32, #tpu.memory_space<hbm>> -> memref<100000x16xf32, #tpu.memory_space<hbm>>
    tpu.enqueue_indirect_dma source(%dma_start3A_23 : memref<100000x16xf32, #tpu.memory_space<hbm>>) target(%dma_start3A_17 : memref<128x16xf32, #tpu.memory_space<vmem>>) offsets(%dma_start3A_20 : memref<128xi32, #tpu.memory_space<vmem>>) semaphore(%arg7 : memref<!tpu.dma_semaphore, #tpu.memory_space<semaphore_mem>>)
    %dma_start3A_24 = arith.constant 2 : i32
    %dma_start3A_25 = arith.constant 2 : i32
    %dma_start3A_26 = arith.constant 0 : i32
    %dma_start3A_27 = arith.constant 0 : i32
    %dma_start3A_28 = tpu.memref_slice %arg6[%dma_start3A_25, %dma_start3A_26, %dma_start3A_27] : memref<5x128x16xf32, #tpu.memory_space<vmem>> -> memref<1x128x16xf32, #tpu.memory_space<vmem>>
    %dma_start3A_29 = tpu.memref_squeeze %dma_start3A_28 : memref<1x128x16xf32, #tpu.memory_space<vmem>> -> memref<128x16xf32, #tpu.memory_space<vmem>>
    %dma_start3A_30 = arith.constant 0 : i32
    %dma_start3A_31 = tpu.memref_slice %arg5[%dma_start3A_24, %dma_start3A_30] : memref<5x128xi32, #tpu.memory_space<vmem>> -> memref<1x128xi32, #tpu.memory_space<vmem>>
    %dma_start3A_32 = tpu.memref_squeeze %dma_start3A_31 : memref<1x128xi32, #tpu.memory_space<vmem>> -> memref<128xi32, #tpu.memory_space<vmem>>
    %dma_start3A_33 = arith.constant 0 : i32
    %dma_start3A_34 = arith.constant 0 : i32
    %dma_start3A_35 = tpu.memref_slice %arg2[%dma_start3A_33, %dma_start3A_34] : memref<100000x16xf32, #tpu.memory_space<hbm>> -> memref<100000x16xf32, #tpu.memory_space<hbm>>
    tpu.enqueue_indirect_dma source(%dma_start3A_35 : memref<100000x16xf32, #tpu.memory_space<hbm>>) target(%dma_start3A_29 : memref<128x16xf32, #tpu.memory_space<vmem>>) offsets(%dma_start3A_32 : memref<128xi32, #tpu.memory_space<vmem>>) semaphore(%arg7 : memref<!tpu.dma_semaphore, #tpu.memory_space<semaphore_mem>>)
    %dma_start3A_36 = arith.constant 3 : i32
    %dma_start3A_37 = arith.constant 3 : i32
    %dma_start3A_38 = arith.constant 0 : i32
    %dma_start3A_39 = arith.constant 0 : i32
    %dma_start3A_40 = tpu.memref_slice %arg6[%dma_start3A_37, %dma_start3A_38, %dma_start3A_39] : memref<5x128x16xf32, #tpu.memory_space<vmem>> -> memref<1x128x16xf32, #tpu.memory_space<vmem>>
    %dma_start3A_41 = tpu.memref_squeeze %dma_start3A_40 : memref<1x128x16xf32, #tpu.memory_space<vmem>> -> memref<128x16xf32, #tpu.memory_space<vmem>>
    %dma_start3A_42 = arith.constant 0 : i32
    %dma_start3A_43 = tpu.memref_slice %arg5[%dma_start3A_36, %dma_start3A_42] : memref<5x128xi32, #tpu.memory_space<vmem>> -> memref<1x128xi32, #tpu.memory_space<vmem>>
    %dma_start3A_44 = tpu.memref_squeeze %dma_start3A_43 : memref<1x128xi32, #tpu.memory_space<vmem>> -> memref<128xi32, #tpu.memory_space<vmem>>
    %dma_start3A_45 = arith.constant 0 : i32
    %dma_start3A_46 = arith.constant 0 : i32
    %dma_start3A_47 = tpu.memref_slice %arg2[%dma_start3A_45, %dma_start3A_46] : memref<100000x16xf32, #tpu.memory_space<hbm>> -> memref<100000x16xf32, #tpu.memory_space<hbm>>
    tpu.enqueue_indirect_dma source(%dma_start3A_47 : memref<100000x16xf32, #tpu.memory_space<hbm>>) target(%dma_start3A_41 : memref<128x16xf32, #tpu.memory_space<vmem>>) offsets(%dma_start3A_44 : memref<128xi32, #tpu.memory_space<vmem>>) semaphore(%arg7 : memref<!tpu.dma_semaphore, #tpu.memory_space<semaphore_mem>>)
    %dma_start3A_48 = arith.constant 4 : i32
    %dma_start3A_49 = arith.constant 4 : i32
    %dma_start3A_50 = arith.constant 0 : i32
    %dma_start3A_51 = arith.constant 0 : i32
    %dma_start3A_52 = tpu.memref_slice %arg6[%dma_start3A_49, %dma_start3A_50, %dma_start3A_51] : memref<5x128x16xf32, #tpu.memory_space<vmem>> -> memref<1x128x16xf32, #tpu.memory_space<vmem>>
    %dma_start3A_53 = tpu.memref_squeeze %dma_start3A_52 : memref<1x128x16xf32, #tpu.memory_space<vmem>> -> memref<128x16xf32, #tpu.memory_space<vmem>>
    %dma_start3A_54 = arith.constant 0 : i32
    %dma_start3A_55 = tpu.memref_slice %arg5[%dma_start3A_48, %dma_start3A_54] : memref<5x128xi32, #tpu.memory_space<vmem>> -> memref<1x128xi32, #tpu.memory_space<vmem>>
    %dma_start3A_56 = tpu.memref_squeeze %dma_start3A_55 : memref<1x128xi32, #tpu.memory_space<vmem>> -> memref<128xi32, #tpu.memory_space<vmem>>
    %dma_start3A_57 = arith.constant 0 : i32
    %dma_start3A_58 = arith.constant 0 : i32
    %dma_start3A_59 = tpu.memref_slice %arg2[%dma_start3A_57, %dma_start3A_58] : memref<100000x16xf32, #tpu.memory_space<hbm>> -> memref<100000x16xf32, #tpu.memory_space<hbm>>
    tpu.enqueue_indirect_dma source(%dma_start3A_59 : memref<100000x16xf32, #tpu.memory_space<hbm>>) target(%dma_start3A_53 : memref<128x16xf32, #tpu.memory_space<vmem>>) offsets(%dma_start3A_56 : memref<128xi32, #tpu.memory_space<vmem>>) semaphore(%arg7 : memref<!tpu.dma_semaphore, #tpu.memory_space<semaphore_mem>>)
    %dma_wait3A = arith.constant 0 : i32
    %dma_wait3A_60 = arith.constant 0 : i32
    %dma_wait3A_61 = arith.constant 0 : i32
    %dma_wait3A_62 = arith.constant 0 : i32
    %dma_wait3A_63 = tpu.memref_slice %arg6[%dma_wait3A_60, %dma_wait3A_61, %dma_wait3A_62] : memref<5x128x16xf32, #tpu.memory_space<vmem>> -> memref<1x128x16xf32, #tpu.memory_space<vmem>>
    %dma_wait3A_64 = tpu.memref_squeeze %dma_wait3A_63 : memref<1x128x16xf32, #tpu.memory_space<vmem>> -> memref<128x16xf32, #tpu.memory_space<vmem>>
    %dma_wait3A_65 = arith.constant 0 : i32
    %dma_wait3A_66 = tpu.memref_slice %arg5[%dma_wait3A, %dma_wait3A_65] : memref<5x128xi32, #tpu.memory_space<vmem>> -> memref<1x128xi32, #tpu.memory_space<vmem>>
    %dma_wait3A_67 = tpu.memref_squeeze %dma_wait3A_66 : memref<1x128xi32, #tpu.memory_space<vmem>> -> memref<128xi32, #tpu.memory_space<vmem>>
    %dma_wait3A_68 = arith.constant 0 : i32
    %dma_wait3A_69 = arith.constant 0 : i32
    %dma_wait3A_70 = tpu.memref_slice %arg2[%dma_wait3A_68, %dma_wait3A_69] : memref<100000x16xf32, #tpu.memory_space<hbm>> -> memref<100000x16xf32, #tpu.memory_space<hbm>>
    tpu.wait_indirect_dma semaphore(%arg7 : memref<!tpu.dma_semaphore, #tpu.memory_space<semaphore_mem>>) src(%dma_wait3A_70 : memref<100000x16xf32, #tpu.memory_space<hbm>>) dst(%dma_wait3A_64 : memref<128x16xf32, #tpu.memory_space<vmem>>)
    %dma_wait3A_71 = arith.constant 1 : i32
    %dma_wait3A_72 = arith.constant 1 : i32
    %dma_wait3A_73 = arith.constant 0 : i32
    %dma_wait3A_74 = arith.constant 0 : i32
    %dma_wait3A_75 = tpu.memref_slice %arg6[%dma_wait3A_72, %dma_wait3A_73, %dma_wait3A_74] : memref<5x128x16xf32, #tpu.memory_space<vmem>> -> memref<1x128x16xf32, #tpu.memory_space<vmem>>
    %dma_wait3A_76 = tpu.memref_squeeze %dma_wait3A_75 : memref<1x128x16xf32, #tpu.memory_space<vmem>> -> memref<128x16xf32, #tpu.memory_space<vmem>>
    %dma_wait3A_77 = arith.constant 0 : i32
    %dma_wait3A_78 = tpu.memref_slice %arg5[%dma_wait3A_71, %dma_wait3A_77] : memref<5x128xi32, #tpu.memory_space<vmem>> -> memref<1x128xi32, #tpu.memory_space<vmem>>
    %dma_wait3A_79 = tpu.memref_squeeze %dma_wait3A_78 : memref<1x128xi32, #tpu.memory_space<vmem>> -> memref<128xi32, #tpu.memory_space<vmem>>
    %dma_wait3A_80 = arith.constant 0 : i32
    %dma_wait3A_81 = arith.constant 0 : i32
    %dma_wait3A_82 = tpu.memref_slice %arg2[%dma_wait3A_80, %dma_wait3A_81] : memref<100000x16xf32, #tpu.memory_space<hbm>> -> memref<100000x16xf32, #tpu.memory_space<hbm>>
    tpu.wait_indirect_dma semaphore(%arg7 : memref<!tpu.dma_semaphore, #tpu.memory_space<semaphore_mem>>) src(%dma_wait3A_82 : memref<100000x16xf32, #tpu.memory_space<hbm>>) dst(%dma_wait3A_76 : memref<128x16xf32, #tpu.memory_space<vmem>>)
    %dma_wait3A_83 = arith.constant 2 : i32
    %dma_wait3A_84 = arith.constant 2 : i32
    %dma_wait3A_85 = arith.constant 0 : i32
    %dma_wait3A_86 = arith.constant 0 : i32
    %dma_wait3A_87 = tpu.memref_slice %arg6[%dma_wait3A_84, %dma_wait3A_85, %dma_wait3A_86] : memref<5x128x16xf32, #tpu.memory_space<vmem>> -> memref<1x128x16xf32, #tpu.memory_space<vmem>>
    %dma_wait3A_88 = tpu.memref_squeeze %dma_wait3A_87 : memref<1x128x16xf32, #tpu.memory_space<vmem>> -> memref<128x16xf32, #tpu.memory_space<vmem>>
    %dma_wait3A_89 = arith.constant 0 : i32
    %dma_wait3A_90 = tpu.memref_slice %arg5[%dma_wait3A_83, %dma_wait3A_89] : memref<5x128xi32, #tpu.memory_space<vmem>> -> memref<1x128xi32, #tpu.memory_space<vmem>>
    %dma_wait3A_91 = tpu.memref_squeeze %dma_wait3A_90 : memref<1x128xi32, #tpu.memory_space<vmem>> -> memref<128xi32, #tpu.memory_space<vmem>>
    %dma_wait3A_92 = arith.constant 0 : i32
    %dma_wait3A_93 = arith.constant 0 : i32
    %dma_wait3A_94 = tpu.memref_slice %arg2[%dma_wait3A_92, %dma_wait3A_93] : memref<100000x16xf32, #tpu.memory_space<hbm>> -> memref<100000x16xf32, #tpu.memory_space<hbm>>
    tpu.wait_indirect_dma semaphore(%arg7 : memref<!tpu.dma_semaphore, #tpu.memory_space<semaphore_mem>>) src(%dma_wait3A_94 : memref<100000x16xf32, #tpu.memory_space<hbm>>) dst(%dma_wait3A_88 : memref<128x16xf32, #tpu.memory_space<vmem>>)
    %dma_wait3A_95 = arith.constant 3 : i32
    %dma_wait3A_96 = arith.constant 3 : i32
    %dma_wait3A_97 = arith.constant 0 : i32
    %dma_wait3A_98 = arith.constant 0 : i32
    %dma_wait3A_99 = tpu.memref_slice %arg6[%dma_wait3A_96, %dma_wait3A_97, %dma_wait3A_98] : memref<5x128x16xf32, #tpu.memory_space<vmem>> -> memref<1x128x16xf32, #tpu.memory_space<vmem>>
    %dma_wait3A_100 = tpu.memref_squeeze %dma_wait3A_99 : memref<1x128x16xf32, #tpu.memory_space<vmem>> -> memref<128x16xf32, #tpu.memory_space<vmem>>
    %dma_wait3A_101 = arith.constant 0 : i32
    %dma_wait3A_102 = tpu.memref_slice %arg5[%dma_wait3A_95, %dma_wait3A_101] : memref<5x128xi32, #tpu.memory_space<vmem>> -> memref<1x128xi32, #tpu.memory_space<vmem>>
    %dma_wait3A_103 = tpu.memref_squeeze %dma_wait3A_102 : memref<1x128xi32, #tpu.memory_space<vmem>> -> memref<128xi32, #tpu.memory_space<vmem>>
    %dma_wait3A_104 = arith.constant 0 : i32
    %dma_wait3A_105 = arith.constant 0 : i32
    %dma_wait3A_106 = tpu.memref_slice %arg2[%dma_wait3A_104, %dma_wait3A_105] : memref<100000x16xf32, #tpu.memory_space<hbm>> -> memref<100000x16xf32, #tpu.memory_space<hbm>>
    tpu.wait_indirect_dma semaphore(%arg7 : memref<!tpu.dma_semaphore, #tpu.memory_space<semaphore_mem>>) src(%dma_wait3A_106 : memref<100000x16xf32, #tpu.memory_space<hbm>>) dst(%dma_wait3A_100 : memref<128x16xf32, #tpu.memory_space<vmem>>)
    %dma_wait3A_107 = arith.constant 4 : i32
    %dma_wait3A_108 = arith.constant 4 : i32
    %dma_wait3A_109 = arith.constant 0 : i32
    %dma_wait3A_110 = arith.constant 0 : i32
    %dma_wait3A_111 = tpu.memref_slice %arg6[%dma_wait3A_108, %dma_wait3A_109, %dma_wait3A_110] : memref<5x128x16xf32, #tpu.memory_space<vmem>> -> memref<1x128x16xf32, #tpu.memory_space<vmem>>
    %dma_wait3A_112 = tpu.memref_squeeze %dma_wait3A_111 : memref<1x128x16xf32, #tpu.memory_space<vmem>> -> memref<128x16xf32, #tpu.memory_space<vmem>>
    %dma_wait3A_113 = arith.constant 0 : i32
    %dma_wait3A_114 = tpu.memref_slice %arg5[%dma_wait3A_107, %dma_wait3A_113] : memref<5x128xi32, #tpu.memory_space<vmem>> -> memref<1x128xi32, #tpu.memory_space<vmem>>
    %dma_wait3A_115 = tpu.memref_squeeze %dma_wait3A_114 : memref<1x128xi32, #tpu.memory_space<vmem>> -> memref<128xi32, #tpu.memory_space<vmem>>
    %dma_wait3A_116 = arith.constant 0 : i32
    %dma_wait3A_117 = arith.constant 0 : i32
    %dma_wait3A_118 = tpu.memref_slice %arg2[%dma_wait3A_116, %dma_wait3A_117] : memref<100000x16xf32, #tpu.memory_space<hbm>> -> memref<100000x16xf32, #tpu.memory_space<hbm>>
    tpu.wait_indirect_dma semaphore(%arg7 : memref<!tpu.dma_semaphore, #tpu.memory_space<semaphore_mem>>) src(%dma_wait3A_118 : memref<100000x16xf32, #tpu.memory_space<hbm>>) dst(%dma_wait3A_112 : memref<128x16xf32, #tpu.memory_space<vmem>>)
    "tpu.region"() ({
      %run_scoped3A = tpu.sem_alloc : memref<!tpu.dma_semaphore, #tpu.memory_space<semaphore_mem>>
      %dma_start3A_119 = arith.constant 0 : i32
      %dma_start3A_120 = arith.constant 0 : i32
      %dma_start3A_121 = arith.constant 0 : i32
      %dma_start3A_122 = tpu.memref_slice %arg4[%add3A, %dma_start3A_119, %dma_start3A_120, %dma_start3A_121] : memref<32x5x128x16xf32, #tpu.memory_space<hbm>> -> memref<1x5x128x16xf32, #tpu.memory_space<hbm>>
      %dma_start3A_123 = tpu.memref_squeeze %dma_start3A_122 : memref<1x5x128x16xf32, #tpu.memory_space<hbm>> -> memref<5x128x16xf32, #tpu.memory_space<hbm>>
      %dma_start3A_124 = arith.constant 0 : i32
      %dma_start3A_125 = arith.constant 0 : i32
      %dma_start3A_126 = arith.constant 0 : i32
      %dma_start3A_127 = tpu.memref_slice %arg4[%add3A, %dma_start3A_124, %dma_start3A_125, %dma_start3A_126] : memref<32x5x128x16xf32, #tpu.memory_space<hbm>> -> memref<1x5x128x16xf32, #tpu.memory_space<hbm>>
      %dma_start3A_128 = tpu.memref_squeeze %dma_start3A_127 : memref<1x5x128x16xf32, #tpu.memory_space<hbm>> -> memref<5x128x16xf32, #tpu.memory_space<hbm>>
      tpu.enqueue_dma source(%arg6 : memref<5x128x16xf32, #tpu.memory_space<vmem>>) target(%dma_start3A_128 : memref<5x128x16xf32, #tpu.memory_space<hbm>>) target_semaphore(%run_scoped3A : memref<!tpu.dma_semaphore, #tpu.memory_space<semaphore_mem>>)
      %dma_wait3A_129 = arith.constant 0 : i32
      %dma_wait3A_130 = arith.constant 0 : i32
      %dma_wait3A_131 = arith.constant 0 : i32
      %dma_wait3A_132 = tpu.memref_slice %arg4[%add3A, %dma_wait3A_129, %dma_wait3A_130, %dma_wait3A_131] : memref<32x5x128x16xf32, #tpu.memory_space<hbm>> -> memref<1x5x128x16xf32, #tpu.memory_space<hbm>>
      %dma_wait3A_133 = tpu.memref_squeeze %dma_wait3A_132 : memref<1x5x128x16xf32, #tpu.memory_space<hbm>> -> memref<5x128x16xf32, #tpu.memory_space<hbm>>
      %dma_wait3A_134 = arith.constant 0 : i32
      %dma_wait3A_135 = arith.constant 0 : i32
      %dma_wait3A_136 = arith.constant 0 : i32
      %dma_wait3A_137 = tpu.memref_slice %arg4[%add3A, %dma_wait3A_134, %dma_wait3A_135, %dma_wait3A_136] : memref<32x5x128x16xf32, #tpu.memory_space<hbm>> -> memref<1x5x128x16xf32, #tpu.memory_space<hbm>>
      %dma_wait3A_138 = tpu.memref_squeeze %dma_wait3A_137 : memref<1x5x128x16xf32, #tpu.memory_space<hbm>> -> memref<5x128x16xf32, #tpu.memory_space<hbm>>
      tpu.wait_dma2 semaphore(%run_scoped3A : memref<!tpu.dma_semaphore, #tpu.memory_space<semaphore_mem>>) src(%arg6 : memref<5x128x16xf32, #tpu.memory_space<vmem>>) dst(%dma_wait3A_138 : memref<5x128x16xf32, #tpu.memory_space<hbm>>)
      tpu.yield
    }) : () -> ()
    return
  }
}

module attributes {stable_mosaic.version = 14 : i64} {
  func.func @body(%arg0: i32, %arg1: memref<32x320xf32, #tpu.memory_space<vmem>>, %arg2: memref<320x32xf32, #tpu.memory_space<vmem>>, %arg3: memref<1x32xf32, #tpu.memory_space<vmem>>, %arg4: memref<32x100000xf32, #tpu.memory_space<vmem>>, %arg5: memref<1x100000xf32, #tpu.memory_space<vmem>>, %arg6: memref<1024x100000xf32, #tpu.memory_space<any>>, %arg7: memref<3x32x100000xf32, #tpu.memory_space<vmem>>, %arg8: memref<3x!tpu.dma_semaphore, #tpu.memory_space<semaphore_mem>>) attributes {dimension_semantics = [#tpu.dimension_semantics<arbitrary>], iteration_bounds = array<i64: 32>, scalar_prefetch = 0 : i64, scratch_operands = 2 : i64, tpu.core_type = #tpu.core_type<tc>, window_params = [{transform_indices = @transform_0, window_bounds = array<i64: 32, 320>}, {pipeline_mode = #tpu.pipeline_mode<synchronous>, transform_indices = @transform_1, window_bounds = array<i64: 320, 32>}, {pipeline_mode = #tpu.pipeline_mode<synchronous>, transform_indices = @transform_2, window_bounds = array<i64: 1, 32>}, {pipeline_mode = #tpu.pipeline_mode<synchronous>, transform_indices = @transform_3, window_bounds = array<i64: 32, 100000>}, {pipeline_mode = #tpu.pipeline_mode<synchronous>, transform_indices = @transform_4, window_bounds = array<i64: 1, 100000>}, {}]} {
    %rem3A = arith.constant 3 : i32
    %rem3A_0 = arith.remsi %arg0, %rem3A : i32
    %ge3A = arith.constant 3 : i32
    %ge3A_1 = arith.cmpi sge, %arg0, %ge3A : i32
    %convert_element_type3A = arith.extui %ge3A_1 : i1 to i32
    %cond3A = arith.constant 0 : i32
    %cond3A_2 = arith.cmpi ne, %convert_element_type3A, %cond3A : i32
    scf.if %cond3A_2 {
      %dma_wait3A = tpu.memref_slice %arg8[%rem3A_0] : memref<3x!tpu.dma_semaphore, #tpu.memory_space<semaphore_mem>> -> memref<1x!tpu.dma_semaphore, #tpu.memory_space<semaphore_mem>>
      %dma_wait3A_90 = tpu.memref_squeeze %dma_wait3A : memref<1x!tpu.dma_semaphore, #tpu.memory_space<semaphore_mem>> -> memref<!tpu.dma_semaphore, #tpu.memory_space<semaphore_mem>>
      %dma_wait3A_91 = arith.constant 0 : i32
      %dma_wait3A_92 = arith.constant 0 : i32
      %dma_wait3A_93 = tpu.memref_slice %arg6[%dma_wait3A_91, %dma_wait3A_92] : memref<1024x100000xf32, #tpu.memory_space<any>> -> memref<32x100000xf32, #tpu.memory_space<any>>
      %dma_wait3A_94 = arith.constant 0 : i32
      %dma_wait3A_95 = arith.constant 0 : i32
      %dma_wait3A_96 = tpu.memref_slice %arg7[%rem3A_0, %dma_wait3A_94, %dma_wait3A_95] : memref<3x32x100000xf32, #tpu.memory_space<vmem>> -> memref<1x32x100000xf32, #tpu.memory_space<vmem>>
      %dma_wait3A_97 = tpu.memref_squeeze %dma_wait3A_96 : memref<1x32x100000xf32, #tpu.memory_space<vmem>> -> memref<32x100000xf32, #tpu.memory_space<vmem>>
      tpu.wait_dma2 semaphore(%dma_wait3A_90 : memref<!tpu.dma_semaphore, #tpu.memory_space<semaphore_mem>>) src(%dma_wait3A_97 : memref<32x100000xf32, #tpu.memory_space<vmem>>) dst(%dma_wait3A_93 : memref<32x100000xf32, #tpu.memory_space<any>>)
    } else {
    }
    %get3A = arith.constant 0 : index
    %get3A_3 = arith.constant 0 : index
    %get3A_4 = vector.load %arg1[%get3A, %get3A_3] : memref<32x320xf32, #tpu.memory_space<vmem>>, vector<32x320xf32>
    %get3A_5 = arith.constant 0 : index
    %get3A_6 = arith.constant 0 : index
    %get3A_7 = vector.load %arg2[%get3A_5, %get3A_6] : memref<320x32xf32, #tpu.memory_space<vmem>>, vector<320x32xf32>
    %dot_general3A = arith.constant dense<0.000000e+00> : vector<32x32xf32>
    %dot_general3A_8 = tpu.matmul %get3A_4, %get3A_7, %dot_general3A {dimension_numbers = #tpu.dot_dimension_numbers<[1], [0], [0], [1], [0, 0, 1, 1], [], []>, transpose_lhs_hint = false} : vector<32x320xf32>, vector<320x32xf32>, vector<32x32xf32> -> vector<32x32xf32>
    %get3A_9 = arith.constant 0 : index
    %get3A_10 = arith.constant 0 : index
    %get3A_11 = vector.load %arg3[%get3A_9, %get3A_10] : memref<1x32xf32, #tpu.memory_space<vmem>>, vector<1x32xf32>
    %add3A = vector.broadcast %get3A_11 : vector<1x32xf32> to vector<32x32xf32>
    %add3A_12 = arith.addf %dot_general3A_8, %add3A : vector<32x32xf32>
    %tanh3A = math.tanh %add3A_12 : vector<32x32xf32>
    %get3A_13 = arith.constant 0 : index
    %get3A_14 = arith.constant 0 : index
    %get3A_15 = vector.load %arg4[%get3A_13, %get3A_14] : memref<32x100000xf32, #tpu.memory_space<vmem>>, vector<32x100000xf32>
    %dot_general3A_16 = arith.constant dense<0.000000e+00> : vector<32x100000xf32>
    %dot_general3A_17 = tpu.matmul %tanh3A, %get3A_15, %dot_general3A_16 {dimension_numbers = #tpu.dot_dimension_numbers<[1], [0], [0], [1], [0, 0, 1, 1], [], []>, transpose_lhs_hint = false} : vector<32x32xf32>, vector<32x100000xf32>, vector<32x100000xf32> -> vector<32x100000xf32>
    %get3A_18 = arith.constant 0 : index
    %get3A_19 = arith.constant 0 : index
    %get3A_20 = vector.load %arg5[%get3A_18, %get3A_19] : memref<1x100000xf32, #tpu.memory_space<vmem>>, vector<1x100000xf32>
    %add3A_21 = vector.broadcast %get3A_20 : vector<1x100000xf32> to vector<32x100000xf32>
    %add3A_22 = arith.addf %dot_general3A_17, %add3A_21 : vector<32x100000xf32>
    %swap3A = arith.index_cast %rem3A_0 : i32 to index
    %swap3A_23 = arith.constant 0 : index
    %swap3A_24 = arith.constant 0 : index
    %swap3A_25 = vector.load %arg7[%swap3A, %swap3A_23, %swap3A_24] : memref<3x32x100000xf32, #tpu.memory_space<vmem>>, vector<1x32x100000xf32>
    %swap3A_26 = vector.shape_cast %swap3A_25 : vector<1x32x100000xf32> to vector<32x100000xf32>
    %swap3A_27 = vector.shape_cast %add3A_22 : vector<32x100000xf32> to vector<1x32x100000xf32>
    tpu.vector_store %arg7[%swap3A, %swap3A_23, %swap3A_24], %swap3A_27 {strides = array<i32>} : memref<3x32x100000xf32, #tpu.memory_space<vmem>>, vector<1x32x100000xf32>,
    %mul3A = arith.constant 32 : i32
    %mul3A_28 = arith.muli %arg0, %mul3A : i32
    %add3A_29 = arith.constant 0 : i32
    %add3A_30 = arith.addi %mul3A_28, %add3A_29 : i32
    %dma_start3A = tpu.memref_slice %arg8[%rem3A_0] : memref<3x!tpu.dma_semaphore, #tpu.memory_space<semaphore_mem>> -> memref<1x!tpu.dma_semaphore, #tpu.memory_space<semaphore_mem>>
    %dma_start3A_31 = tpu.memref_squeeze %dma_start3A : memref<1x!tpu.dma_semaphore, #tpu.memory_space<semaphore_mem>> -> memref<!tpu.dma_semaphore, #tpu.memory_space<semaphore_mem>>
    %dma_start3A_32 = arith.constant 0 : i32
    %dma_start3A_33 = tpu.memref_slice %arg6[%add3A_30, %dma_start3A_32] : memref<1024x100000xf32, #tpu.memory_space<any>> -> memref<8x100000xf32, #tpu.memory_space<any>>
    %dma_start3A_34 = arith.constant 0 : i32
    %dma_start3A_35 = arith.constant 0 : i32
    %dma_start3A_36 = tpu.memref_slice %arg7[%rem3A_0, %dma_start3A_34, %dma_start3A_35] : memref<3x32x100000xf32, #tpu.memory_space<vmem>> -> memref<1x32x100000xf32, #tpu.memory_space<vmem>>
    %dma_start3A_37 = tpu.memref_squeeze %dma_start3A_36 : memref<1x32x100000xf32, #tpu.memory_space<vmem>> -> memref<32x100000xf32, #tpu.memory_space<vmem>>
    %dma_start3A_38 = arith.constant 0 : i32
    %dma_start3A_39 = arith.constant 0 : i32
    %dma_start3A_40 = tpu.memref_slice %dma_start3A_37[%dma_start3A_38, %dma_start3A_39] : memref<32x100000xf32, #tpu.memory_space<vmem>> -> memref<8x100000xf32, #tpu.memory_space<vmem>>
    tpu.enqueue_dma source(%dma_start3A_40 : memref<8x100000xf32, #tpu.memory_space<vmem>>) target(%dma_start3A_33 : memref<8x100000xf32, #tpu.memory_space<any>>) target_semaphore(%dma_start3A_31 : memref<!tpu.dma_semaphore, #tpu.memory_space<semaphore_mem>>)
    %mul3A_41 = arith.constant 32 : i32
    %mul3A_42 = arith.muli %arg0, %mul3A_41 : i32
    %add3A_43 = arith.constant 8 : i32
    %add3A_44 = arith.addi %mul3A_42, %add3A_43 : i32
    %dma_start3A_45 = tpu.memref_slice %arg8[%rem3A_0] : memref<3x!tpu.dma_semaphore, #tpu.memory_space<semaphore_mem>> -> memref<1x!tpu.dma_semaphore, #tpu.memory_space<semaphore_mem>>
    %dma_start3A_46 = tpu.memref_squeeze %dma_start3A_45 : memref<1x!tpu.dma_semaphore, #tpu.memory_space<semaphore_mem>> -> memref<!tpu.dma_semaphore, #tpu.memory_space<semaphore_mem>>
    %dma_start3A_47 = arith.constant 0 : i32
    %dma_start3A_48 = tpu.memref_slice %arg6[%add3A_44, %dma_start3A_47] : memref<1024x100000xf32, #tpu.memory_space<any>> -> memref<8x100000xf32, #tpu.memory_space<any>>
    %dma_start3A_49 = arith.constant 0 : i32
    %dma_start3A_50 = arith.constant 0 : i32
    %dma_start3A_51 = tpu.memref_slice %arg7[%rem3A_0, %dma_start3A_49, %dma_start3A_50] : memref<3x32x100000xf32, #tpu.memory_space<vmem>> -> memref<1x32x100000xf32, #tpu.memory_space<vmem>>
    %dma_start3A_52 = tpu.memref_squeeze %dma_start3A_51 : memref<1x32x100000xf32, #tpu.memory_space<vmem>> -> memref<32x100000xf32, #tpu.memory_space<vmem>>
    %dma_start3A_53 = arith.constant 8 : i32
    %dma_start3A_54 = arith.constant 0 : i32
    %dma_start3A_55 = tpu.memref_slice %dma_start3A_52[%dma_start3A_53, %dma_start3A_54] : memref<32x100000xf32, #tpu.memory_space<vmem>> -> memref<8x100000xf32, #tpu.memory_space<vmem>>
    tpu.enqueue_dma source(%dma_start3A_55 : memref<8x100000xf32, #tpu.memory_space<vmem>>) target(%dma_start3A_48 : memref<8x100000xf32, #tpu.memory_space<any>>) target_semaphore(%dma_start3A_46 : memref<!tpu.dma_semaphore, #tpu.memory_space<semaphore_mem>>)
    %mul3A_56 = arith.constant 32 : i32
    %mul3A_57 = arith.muli %arg0, %mul3A_56 : i32
    %add3A_58 = arith.constant 16 : i32
    %add3A_59 = arith.addi %mul3A_57, %add3A_58 : i32
    %dma_start3A_60 = tpu.memref_slice %arg8[%rem3A_0] : memref<3x!tpu.dma_semaphore, #tpu.memory_space<semaphore_mem>> -> memref<1x!tpu.dma_semaphore, #tpu.memory_space<semaphore_mem>>
    %dma_start3A_61 = tpu.memref_squeeze %dma_start3A_60 : memref<1x!tpu.dma_semaphore, #tpu.memory_space<semaphore_mem>> -> memref<!tpu.dma_semaphore, #tpu.memory_space<semaphore_mem>>
    %dma_start3A_62 = arith.constant 0 : i32
    %dma_start3A_63 = tpu.memref_slice %arg6[%add3A_59, %dma_start3A_62] : memref<1024x100000xf32, #tpu.memory_space<any>> -> memref<8x100000xf32, #tpu.memory_space<any>>
    %dma_start3A_64 = arith.constant 0 : i32
    %dma_start3A_65 = arith.constant 0 : i32
    %dma_start3A_66 = tpu.memref_slice %arg7[%rem3A_0, %dma_start3A_64, %dma_start3A_65] : memref<3x32x100000xf32, #tpu.memory_space<vmem>> -> memref<1x32x100000xf32, #tpu.memory_space<vmem>>
    %dma_start3A_67 = tpu.memref_squeeze %dma_start3A_66 : memref<1x32x100000xf32, #tpu.memory_space<vmem>> -> memref<32x100000xf32, #tpu.memory_space<vmem>>
    %dma_start3A_68 = arith.constant 16 : i32
    %dma_start3A_69 = arith.constant 0 : i32
    %dma_start3A_70 = tpu.memref_slice %dma_start3A_67[%dma_start3A_68, %dma_start3A_69] : memref<32x100000xf32, #tpu.memory_space<vmem>> -> memref<8x100000xf32, #tpu.memory_space<vmem>>
    tpu.enqueue_dma source(%dma_start3A_70 : memref<8x100000xf32, #tpu.memory_space<vmem>>) target(%dma_start3A_63 : memref<8x100000xf32, #tpu.memory_space<any>>) target_semaphore(%dma_start3A_61 : memref<!tpu.dma_semaphore, #tpu.memory_space<semaphore_mem>>)
    %mul3A_71 = arith.constant 32 : i32
    %mul3A_72 = arith.muli %arg0, %mul3A_71 : i32
    %add3A_73 = arith.constant 24 : i32
    %add3A_74 = arith.addi %mul3A_72, %add3A_73 : i32
    %dma_start3A_75 = tpu.memref_slice %arg8[%rem3A_0] : memref<3x!tpu.dma_semaphore, #tpu.memory_space<semaphore_mem>> -> memref<1x!tpu.dma_semaphore, #tpu.memory_space<semaphore_mem>>
    %dma_start3A_76 = tpu.memref_squeeze %dma_start3A_75 : memref<1x!tpu.dma_semaphore, #tpu.memory_space<semaphore_mem>> -> memref<!tpu.dma_semaphore, #tpu.memory_space<semaphore_mem>>
    %dma_start3A_77 = arith.constant 0 : i32
    %dma_start3A_78 = tpu.memref_slice %arg6[%add3A_74, %dma_start3A_77] : memref<1024x100000xf32, #tpu.memory_space<any>> -> memref<8x100000xf32, #tpu.memory_space<any>>
    %dma_start3A_79 = arith.constant 0 : i32
    %dma_start3A_80 = arith.constant 0 : i32
    %dma_start3A_81 = tpu.memref_slice %arg7[%rem3A_0, %dma_start3A_79, %dma_start3A_80] : memref<3x32x100000xf32, #tpu.memory_space<vmem>> -> memref<1x32x100000xf32, #tpu.memory_space<vmem>>
    %dma_start3A_82 = tpu.memref_squeeze %dma_start3A_81 : memref<1x32x100000xf32, #tpu.memory_space<vmem>> -> memref<32x100000xf32, #tpu.memory_space<vmem>>
    %dma_start3A_83 = arith.constant 24 : i32
    %dma_start3A_84 = arith.constant 0 : i32
    %dma_start3A_85 = tpu.memref_slice %dma_start3A_82[%dma_start3A_83, %dma_start3A_84] : memref<32x100000xf32, #tpu.memory_space<vmem>> -> memref<8x100000xf32, #tpu.memory_space<vmem>>
    tpu.enqueue_dma source(%dma_start3A_85 : memref<8x100000xf32, #tpu.memory_space<vmem>>) target(%dma_start3A_78 : memref<8x100000xf32, #tpu.memory_space<any>>) target_semaphore(%dma_start3A_76 : memref<!tpu.dma_semaphore, #tpu.memory_space<semaphore_mem>>)
    %eq3A = arith.constant 31 : i32
    %eq3A_86 = arith.cmpi eq, %arg0, %eq3A : i32
    %convert_element_type3A_87 = arith.extui %eq3A_86 : i1 to i32
    %cond3A_88 = arith.constant 0 : i32
    %cond3A_89 = arith.cmpi ne, %convert_element_type3A_87, %cond3A_88 : i32
    scf.if %cond3A_89 {
      %dma_wait3A = arith.constant 1 : i32
      %dma_wait3A_90 = arith.constant 1 : i32
      %dma_wait3A_91 = tpu.memref_slice %arg8[%dma_wait3A_90] : memref<3x!tpu.dma_semaphore, #tpu.memory_space<semaphore_mem>> -> memref<1x!tpu.dma_semaphore, #tpu.memory_space<semaphore_mem>>
      %dma_wait3A_92 = tpu.memref_squeeze %dma_wait3A_91 : memref<1x!tpu.dma_semaphore, #tpu.memory_space<semaphore_mem>> -> memref<!tpu.dma_semaphore, #tpu.memory_space<semaphore_mem>>
      %dma_wait3A_93 = arith.constant 0 : i32
      %dma_wait3A_94 = arith.constant 0 : i32
      %dma_wait3A_95 = tpu.memref_slice %arg6[%dma_wait3A_93, %dma_wait3A_94] : memref<1024x100000xf32, #tpu.memory_space<any>> -> memref<32x100000xf32, #tpu.memory_space<any>>
      %dma_wait3A_96 = arith.constant 0 : i32
      %dma_wait3A_97 = arith.constant 0 : i32
      %dma_wait3A_98 = tpu.memref_slice %arg7[%dma_wait3A, %dma_wait3A_96, %dma_wait3A_97] : memref<3x32x100000xf32, #tpu.memory_space<vmem>> -> memref<1x32x100000xf32, #tpu.memory_space<vmem>>
      %dma_wait3A_99 = tpu.memref_squeeze %dma_wait3A_98 : memref<1x32x100000xf32, #tpu.memory_space<vmem>> -> memref<32x100000xf32, #tpu.memory_space<vmem>>
      tpu.wait_dma2 semaphore(%dma_wait3A_92 : memref<!tpu.dma_semaphore, #tpu.memory_space<semaphore_mem>>) src(%dma_wait3A_99 : memref<32x100000xf32, #tpu.memory_space<vmem>>) dst(%dma_wait3A_95 : memref<32x100000xf32, #tpu.memory_space<any>>)
      %dma_wait3A_100 = arith.constant 0 : i32
      %dma_wait3A_101 = arith.constant 0 : i32
      %dma_wait3A_102 = tpu.memref_slice %arg8[%dma_wait3A_101] : memref<3x!tpu.dma_semaphore, #tpu.memory_space<semaphore_mem>> -> memref<1x!tpu.dma_semaphore, #tpu.memory_space<semaphore_mem>>
      %dma_wait3A_103 = tpu.memref_squeeze %dma_wait3A_102 : memref<1x!tpu.dma_semaphore, #tpu.memory_space<semaphore_mem>> -> memref<!tpu.dma_semaphore, #tpu.memory_space<semaphore_mem>>
      %dma_wait3A_104 = arith.constant 0 : i32
      %dma_wait3A_105 = arith.constant 0 : i32
      %dma_wait3A_106 = tpu.memref_slice %arg6[%dma_wait3A_104, %dma_wait3A_105] : memref<1024x100000xf32, #tpu.memory_space<any>> -> memref<32x100000xf32, #tpu.memory_space<any>>
      %dma_wait3A_107 = arith.constant 0 : i32
      %dma_wait3A_108 = arith.constant 0 : i32
      %dma_wait3A_109 = tpu.memref_slice %arg7[%dma_wait3A_100, %dma_wait3A_107, %dma_wait3A_108] : memref<3x32x100000xf32, #tpu.memory_space<vmem>> -> memref<1x32x100000xf32, #tpu.memory_space<vmem>>
      %dma_wait3A_110 = tpu.memref_squeeze %dma_wait3A_109 : memref<1x32x100000xf32, #tpu.memory_space<vmem>> -> memref<32x100000xf32, #tpu.memory_space<vmem>>
      tpu.wait_dma2 semaphore(%dma_wait3A_103 : memref<!tpu.dma_semaphore, #tpu.memory_space<semaphore_mem>>) src(%dma_wait3A_110 : memref<32x100000xf32, #tpu.memory_space<vmem>>) dst(%dma_wait3A_106 : memref<32x100000xf32, #tpu.memory_space<any>>)
      %dma_wait3A_111 = arith.constant 2 : i32
      %dma_wait3A_112 = arith.constant 2 : i32
      %dma_wait3A_113 = tpu.memref_slice %arg8[%dma_wait3A_112] : memref<3x!tpu.dma_semaphore, #tpu.memory_space<semaphore_mem>> -> memref<1x!tpu.dma_semaphore, #tpu.memory_space<semaphore_mem>>
      %dma_wait3A_114 = tpu.memref_squeeze %dma_wait3A_113 : memref<1x!tpu.dma_semaphore, #tpu.memory_space<semaphore_mem>> -> memref<!tpu.dma_semaphore, #tpu.memory_space<semaphore_mem>>
      %dma_wait3A_115 = arith.constant 0 : i32
      %dma_wait3A_116 = arith.constant 0 : i32
      %dma_wait3A_117 = tpu.memref_slice %arg6[%dma_wait3A_115, %dma_wait3A_116] : memref<1024x100000xf32, #tpu.memory_space<any>> -> memref<32x100000xf32, #tpu.memory_space<any>>
      %dma_wait3A_118 = arith.constant 0 : i32
      %dma_wait3A_119 = arith.constant 0 : i32
      %dma_wait3A_120 = tpu.memref_slice %arg7[%dma_wait3A_111, %dma_wait3A_118, %dma_wait3A_119] : memref<3x32x100000xf32, #tpu.memory_space<vmem>> -> memref<1x32x100000xf32, #tpu.memory_space<vmem>>
      %dma_wait3A_121 = tpu.memref_squeeze %dma_wait3A_120 : memref<1x32x100000xf32, #tpu.memory_space<vmem>> -> memref<32x100000xf32, #tpu.memory_space<vmem>>
      tpu.wait_dma2 semaphore(%dma_wait3A_114 : memref<!tpu.dma_semaphore, #tpu.memory_space<semaphore_mem>>) src(%dma_wait3A_121 : memref<32x100000xf32, #tpu.memory_space<vmem>>) dst(%dma_wait3A_117 : memref<32x100000xf32, #tpu.memory_space<any>>)
    } else {
    }
    return
  }
  func.func @transform_0(%arg0: i32) -> (i32, i32) {
    %c0_i32 = arith.constant 0 : i32
    %c0_i32_0 = arith.constant 0 : i32
    return %arg0, %c0_i32 : i32, i32
  }
  func.func @transform_1(%arg0: i32) -> (i32, i32) {
    %c0_i32 = arith.constant 0 : i32
    %c0_i32_0 = arith.constant 0 : i32
    %c0_i32_1 = arith.constant 0 : i32
    return %c0_i32, %c0_i32_0 : i32, i32
  }
  func.func @transform_2(%arg0: i32) -> (i32, i32) {
    %c0_i32 = arith.constant 0 : i32
    %c0_i32_0 = arith.constant 0 : i32
    %c0_i32_1 = arith.constant 0 : i32
    return %c0_i32, %c0_i32_0 : i32, i32
  }
  func.func @transform_3(%arg0: i32) -> (i32, i32) {
    %c0_i32 = arith.constant 0 : i32
    %c0_i32_0 = arith.constant 0 : i32
    %c0_i32_1 = arith.constant 0 : i32
    return %c0_i32, %c0_i32_0 : i32, i32
  }
  func.func @transform_4(%arg0: i32) -> (i32, i32) {
    %c0_i32 = arith.constant 0 : i32
    %c0_i32_0 = arith.constant 0 : i32
    %c0_i32_1 = arith.constant 0 : i32
    return %c0_i32, %c0_i32_0 : i32, i32
  }
}

</mosaic_0001>

<sc_bundles>
// kernel: kernel.4.cloned.1.call-start
scs
__scs_entry_jumppad:
0x0: {  	(pc) =	sbr.rel $0x88, $3  }
0x1: {  	(tag) =	ssettag $0x0;
	lr =	simm.s32 $0x1  }
0x2: {  	[smem:$0x3F9B] =	sst lr;
	_ =	strace $0xD0000000  }
0x3: {  	_ = 	snop  }
0x4: {  	_ = 	snop  }
0x5: {  	_ = 	snop  }
0x6: {  	_ = 	snop  }
0x7: {  	_ = 	snop  }
__scs_overlays_trampoline_lowered:
0x8: {  	[smem:$0x3FAA] =	sst s0  }
0x9: {  	[smem:$0x3FAB] =	sst s1  }
0xa: {  	[smem:$0x3FAC] =	sst s2  }
0xb: {  	[smem:$0x3FAD] =	sst s3  }
0xc: {  	[smem:$0x3FAE] =	sst s4  }
0xd: {  	[smem:$0x3FAF] =	sst s5  }
0xe: {  	[smem:$0x3FB0] =	sst s6  }
0xf: {  	[smem:$0x3FB1] =	sst s7  }
0x10: {  	[smem:$0x3FB2] =	sst s8  }
0x11: {  	[smem:$0x3FB3] =	sst s9;
	s0 =	simm.s32 @!p0 $0x0  }
0x12: {  	s1 =	sld [smem:$0x3F99];
	s0 =	simm.s32 @p0 $0x1  }
0x13: {  	[smem:$0x3FB4] =	sst s0;
	s0 =	simm.s32 @!p1 $0x0  }
0x14: {  	s2 =	sld [smem:$0x3F98];
	s0 =	simm.s32 @p1 $0x1  }
0x15: {  	[smem:$0x3FB5] =	sst s0;
	s0 =	simm.s32 @!p2 $0x0  }
0x16: {  	s3 =	sld [smem:$0x3FDB];
	s0 =	simm.s32 @p2 $0x1  }
0x17: {  	s4 =	simm.s32 $0x1BF5;
	[smem:$0x3FB7] =	sst s0  }
0x18: {  	s0 =	sld [smem:$0x3F9A];
	_ =	swait.ge [sflag:s4], $0x0  }
0x19: {  	s7 =	sld [smem:$0x3F9B]  }
0x1a: {  	s8 =	sadd.s32 $0xFFFFE003, lr  }
0x1b: {  	s9 =	sadd.s32 $0xFFFFFEF7, lr;
	s5 =	simm.s32 $0xFFFFFFFF;
	p2 =	slt.u32 s8, $0xFFFFF086  }
0x1c: {  	p1 =	slt.u32 s9, $0xF7A;
	s5 =	simm.s32 @!p2 $0x0  }
0x1d: {  	s5 =	simm.s32 @p1 $0x1;
	p0 =	seq.s32 s7, s2  }
0x1e: {  	s7 =	smul.u32 @!p0 $0xF7A, s2;
	p2 =	seq.s32 @!p0 s5, $0x0  }
0x1f: {  	s9 =	smul.u32 $0xF7A, s1;
	s8 =	simm.s32 @!p0 $0x1BF5;
	p2 =	por !p2, p0  }
0x20: {  	[sflag:s8] =	ssyncset.s32 @!p0 $0xFFFFF086;
	s6 =	sadd.s32 @!p0 s3, s7;
	s7 =	simm.s32 @!p0 $0x108  }
0x21: {  	s3 =	sadd.s32 s3, s9;
	s6 =	sadd.s32 @!p0 $0x88, s6;
	s7 =	simm.s32 @p2 $0x1082  }
0x22: {  	[simem:s7], [sflag:s8] =	dma.local @!p0 [hbm:s6], $0xF7A  }
0x23: {  	s9 =	sor.u32 $0xD0000000, s2;
	s6 =	simm.s32 $0x108;
	_ =	swait.ge @!p0 [sflag:s8], $0x0  }
0x24: {  	s3 =	sadd.s32 $0x88, s3;
	s6 =	simm.s32 @!p1 $0x1082;
	[sflag:s4] =	ssyncset.s32 $0xFFFFF086  }
0x25: {  	[simem:s6], [sflag:s4] =	dma.local [hbm:s3], $0xF7A  }
0x26: {  	[smem:$0x3F9B] =	sst s1;
	(tag) =	ssettag s2;
	_ =	strace s9  }
0x27: {  	s1 =	sld [smem:$0x3FAB]  }
0x28: {  	s2 =	sld [smem:$0x3FAC]  }
0x29: {  	s4 =	sld [smem:$0x3FAE]  }
0x2a: {  	p0 =	seq.s32 s5, $0x0;
	s5 =	sld [smem:$0x3FAF]  }
0x2b: {  	s6 =	sld [smem:$0x3FB0]  }
0x2c: {  	s7 =	sld [smem:$0x3FB1]  }
0x2d: {  	s3 =	simm.s32 $0x108;
	s8 =	sld [smem:$0x3FB2]  }
0x2e: {  	s3 =	simm.s32 @!p0 $0x1082;
	s9 =	sld [smem:$0x3FB3]  }
0x2f: {  	lr =	sadd.s32 s0, s3;
	s0 =	sld [smem:$0x3FAA]  }
0x30: {  	s3 =	sld [smem:$0x3FAD]  }
0x31: {  	[smem:$0x3FB6] =	sst s10  }
0x32: {  	s10 =	sld [smem:$0x3FB4];
	_ =	sdelay $0x3  }
0x33: {  	p0 =	seq.s32 s10, $0x1;
	s10 =	sld [smem:$0x3FB6];
	_ =	sdelay $0x3  }
0x34: {  	[smem:$0x3FB6] =	sst s10  }
0x35: {  	s10 =	sld [smem:$0x3FB5];
	_ =	sdelay $0x3  }
0x36: {  	p1 =	seq.s32 s10, $0x1;
	s10 =	sld [smem:$0x3FB6];
	_ =	sdelay $0x3  }
0x37: {  	[smem:$0x3FB6] =	sst s10  }
0x38: {  	s10 =	sld [smem:$0x3FB7]  }
0x39: {  	_ = 	snop;
	(pc) =	sbr.ind lr, $3  }
0x3a: {  	_ = 	snop  }
0x3b: {  	_ = 	snop  }
0x3c: {  	p2 =	seq.s32 s10, $0x1;
	s10 =	sld [smem:$0x3FB6]  }
0x3d: {  	_ =	shalt  }
0x3e: {  	_ =	shalt  }
0x3f: {  	_ =	shalt  }
0x40: {  	_ =	shalt  }
0x41: {  	_ =	shalt  }
0x42: {  	_ =	shalt  }
0x43: {  	_ =	shalt  }
0x44: {  	_ =	shalt  }
0x45: {  	_ =	shalt  }
0x46: {  	_ =	shalt  }
0x47: {  	_ =	shalt  }
0x48: {  	_ =	shalt  }
0x49: {  	_ =	shalt  }
0x4a: {  	_ =	shalt  }
0x4b: {  	_ =	shalt  }
0x4c: {  	_ =	shalt  }
0x4d: {  	_ =	shalt  }
0x4e: {  	_ =	shalt  }
0x4f: {  	_ =	shalt  }
0x50: {  	_ =	shalt  }
0x51: {  	_ =	shalt  }
0x52: {  	_ =	shalt  }
0x53: {  	_ =	shalt  }
0x54: {  	_ =	shalt  }
0x55: {  	_ =	shalt  }
0x56: {  	_ =	shalt  }
0x57: {  	_ =	shalt  }
0x58: {  	_ =	shalt  }
0x59: {  	_ =	shalt  }
0x5a: {  	_ =	shalt  }
0x5b: {  	_ =	shalt  }
0x5c: {  	_ =	shalt  }
0x5d: {  	_ =	shalt  }
0x5e: {  	_ =	shalt  }
0x5f: {  	_ =	shalt  }
0x60: {  	_ =	shalt  }
0x61: {  	_ =	shalt  }
0x62: {  	_ =	shalt  }
0x63: {  	_ =	shalt  }
0x64: {  	_ =	shalt  }
0x65: {  	_ =	shalt  }
0x66: {  	_ =	shalt  }
0x67: {  	_ =	shalt  }
0x68: {  	_ =	shalt  }
0x69: {  	_ =	shalt  }
0x6a: {  	_ =	shalt  }
0x6b: {  	_ =	shalt  }
0x6c: {  	_ =	shalt  }
0x6d: {  	_ =	shalt  }
0x6e: {  	_ =	shalt  }
0x6f: {  	_ =	shalt  }
0x70: {  	_ =	shalt  }
0x71: {  	_ =	shalt  }
0x72: {  	_ =	shalt  }
0x73: {  	_ =	shalt  }
0x74: {  	_ =	shalt  }
0x75: {  	_ =	shalt  }
0x76: {  	_ =	shalt  }
0x77: {  	_ =	shalt  }
0x78: {  	_ =	shalt  }
0x79: {  	_ =	shalt  }
0x7a: {  	_ =	shalt  }
0x7b: {  	_ =	shalt  }
0x7c: {  	_ =	shalt  }
0x7d: {  	_ =	shalt  }
0x7e: {  	_ =	shalt  }
0x7f: {  	_ =	shalt  }
0x80: {  	_ =	shalt  }
0x81: {  	_ =	shalt  }
0x82: {  	_ =	shalt  }
0x83: {  	_ =	shalt  }
0x84: {  	_ =	shalt  }
0x85: {  	_ =	shalt  }
0x86: {  	_ =	shalt  }
0x87: {  	_ =	shalt  }
.Lfunc_end0:
.L_simem_size_0:
called_computation_lowered:
.L_overlay_start_0:
0x88: {  	s2 =	sld [smem:$0x3FD9]  }
0x89: {  	s3 =	sld [smem:$0x3FFE];
	_ =	sdelay $0x1  }
0x8a: {  	s1 =	srdreg.scid  }
0x8b: {  	s0 =	sand.u32 $0x1, s1  }
0x8c: {  	s16 =	sshll.u32 s0, $0xA;
	s2 =	sadd.s32 s3, s2  }
0x8d: {  	s2 =	sadd.s32 s2, s16  }
0x8e: {  	[smem:$0x3FC2] =	sst s2  }
0x8f: {  	_ = 	snop  }
0x90: {  	(tm) =	ssettm $0x1  }
0x91: {  	s17 =	sld [smem:$0x3FFB];
	_ =	sdelay $0x3  }
0x92: {  	_ =	strace s17  }
0x93: {  	s2 =	sld [smem:$0x3FFC];
	_ =	sdelay $0x3  }
0x94: {  	_ =	strace s2  }
0x95: {  	s2 =	sld [smem:$0x3FFD];
	_ =	sdelay $0x3  }
0x96: {  	_ =	strace s2  }
0x97: {  	_ =	strace $0x8FFFFFFF  }
0x98: {  	s18 =	sld [smem:$0x3FDB];
	_ =	sdelay $0x1  }
0x99: {  	s19 =	simm.s32 $_scs_section_size  }
0x9a: {  	s4 =	simm.s32 $_size__tile_overlayer_lowered;
	s5 =	simm.s32 $_tile_overlayer_lowered  }
0x9b: {  	s22 =	simm.s32 $0x1BFF;
	s21 =	sshll.u32 s5, $0x1;
	s2 =	sadd.s32 s19, s18  }
0x9c: {  	s6 =	simm.s32 $0x0;
	s20 =	sshll.u32 s4, $0x1;
	s4 =	sadd.s32 s21, s2  }
0x9d: {  	[timem:s6], [sflag:s22] =	dma.local [hbm:s4], s20  }
0x9e: {  	_ =	swait.ge [sflag:s22], s20  }
0x9f: {  	s3 =	ssub.s32 $0x0, s20;
	[sflag:s22] =	ssyncset.done $0x0  }
0xa0: {  	[sflag:s22] =	ssyncadd.s32 s3;
	_ =	sdelay $0x1  }
0xa1: {  	s23 =	simm.s32 $0x1B8B  }
0xa2: {  	_ =	swait.ge [sflag:s23], $0x1  }
0xa3: {  	[sflag:s23] =	ssyncset.done $0x0  }
0xa4: {  	s25 =	simm.s32 $0x1B8E;
	s24 =	sld [smem:$0x3FFE];
	[sflag:s23] =	ssyncadd.s32 $0xFFFFFFFF  }
0xa5: {  	s26 =	simm.s32 $execute0_lowered;
	[smem:$0x3FD2] =	sst s25  }
0xa6: {  	s4 =	sshll.u32 s26, $0x1;
	_ =	strace $0x80000046;
	[dreg:$0x1] =	wrdreg $0xFFFFFFFF  }
0xa7: {  	s28 =	simm.s32 $_size_execute0_lowered;
	s2 =	sadd.s32 s2, s4;
	[dreg:$0x0] =	wrdreg $0x0  }
0xa8: {  	s4 =	sshll.u32 s28, $0x1;
	[dreg:$0x2] =	wrdreg s2  }
0xa9: {  	[dreg:$0x3] =	wrdreg s4  }
0xaa: {  	[dreg:$0x4] =	wrdreg $0xC0  }
0xab: {  	_ =	task [dreg:s6], $0x5FFFF  }
0xac: {  	[dreg:$0x1] =	wrdreg $0xFFFFFFFF  }
0xad: {  	[dreg:$0x0] =	wrdreg $0x60  }
0xae: {  	[dreg:$0x2] =	wrdreg s24  }
0xaf: {  	[dreg:$0x3] =	wrdreg $0x9  }
0xb0: {  	_ =	task.clear_ibuf [dreg:s6], $0x4FFFF;
	_ =	strace $0x90000046  }
0xb1: {  	s29 =	simm.s32 $0x9;
	_ =	strace $0x80000048  }
0xb2: {  	_ =	swait.ge [sflag:s29], $0x1  }
0xb3: {  	[sflag:s29] =	ssyncadd.s32 $0xFFFFFFFF  }
0xb4: {  	_ =	strace $0x90000048  }
0xb5: {  	_ =	sfence  }
0xb6: {  	s30 =	sld [smem:$0x0];
	_ =	sdelay $0x2  }
0xb7: {  	s31 =	sshll.u32 s1, $0xD;
	s1 =	sshrl.u32 s1, $0x2  }
0xb8: {  	s3 =	sand.u32 $0x4000, s31;
	s1 =	sadd.s32 s1, s30  }
0xb9: {  	s0 =	sor.u32 s3, s0;
	s1 =	sshll.u32 s1, $0x11  }
0xba: {  	s0 =	sor.u32 s1, s0  }
0xbb: {  	s0 =	sadd.s32 $0x8F2B, s0  }
0xbc: {  	[sflag:s0] =	ssyncadd.remote.s32 $0x1  }
0xbd: {  	_ =	sfence.sel $0xFFFF  }
0xbe: {  	[dreg:$0x0] =	wrdreg $0xFFFFFFFF;
	(pc) =	sbr.abs _section_cstart, $3  }
0xbf: {  	[dreg:$0x1] =	wrdreg $0xFFFFFFFF  }
0xc0: {  	_ =	task.clear_ibuf [dreg:s6], $0x2FFFF;
	_ =	strace $0x9FFFFFFF  }
0xc1: {  	(tm) =	ssettm $0x7FFFFFFF  }
tec
execute0_lowered:
.L_overlay_start_1:
0x0: {  	(tag) =	ssettag $0x1  }
0x1: {  	s1 =	srdreg.scid;
	s0 =	stileid.u32  }
0x2: {  	s16 =	sand.u32 $0x1, s1;
	s29 =	sshll.u32 s0, $0x1  }
0x3: {  	s17 =	sor.u32 s16, s29  }
0x4: {  	s18 =	rddreg [dreg:$0x0];
	s3 =	smul.u32 $0x50, s17  }
0x5: {  	s2 =	simm.s32 $0x0;
	s1 =	rddreg [dreg:$0x1]  }
0x6: {  	[smem:$0x7FF] =	sst s2;
	s3 =	sadd.s32 s3, s18  }
0x7: {  	_ =	strace $0x80000047;
	s4 =	sadd.s32 $0x800, s3;
	s3 =	simm.s32 $0x2  }
0x8: {  	[tilespmem:s2], [sflag:$0x2] =	stream.linear.gather [hbm4b:s4+s2], $0x280, $0x38;
	[tilespmem:$0x2A80] =	vst v63  }
0x9: {  	_ =	swait.ge [sflag:s3], $0x280  }
0xa: {  	s6 =	simm.s32 $0x80;
	[sflag:s3] =	ssyncset.done $0x0  }
0xb: {  	s7 =	simm.s32 $0x280;
	s5 =	sadd.s32 $0x1200, s18;
	[sflag:s3] =	ssyncadd.s32 $0xFFFFFD80  }
0xc: {  	[tilespmem:s7], [sflag:$0x1] =	stream.indirect.gather [hbm4b:s5+s6], $0x10, s2, s6, $0xb8;
	[tilespmem:$0x2A80] =	vst v63  }
0xd: {  	s8 =	simm.s32 $0xA80  }
0xe: {  	[tilespmem:s8], [sflag:$0x1] =	stream.indirect.gather [hbm4b:s5+s6], $0x10, s6, s6, $0xb8;
	[tilespmem:$0x2A80] =	vst v63  }
0xf: {  	s9 =	simm.s32 $0x100;
	s10 =	simm.s32 $0x1280  }
0x10: {  	[tilespmem:s10], [sflag:$0x1] =	stream.indirect.gather [hbm4b:s5+s6], $0x10, s9, s6, $0xb8;
	[tilespmem:$0x2A80] =	vst v63  }
0x11: {  	s11 =	simm.s32 $0x180;
	s12 =	simm.s32 $0x1A80  }
0x12: {  	[tilespmem:s12], [sflag:$0x1] =	stream.indirect.gather [hbm4b:s5+s6], $0x10, s11, s6, $0xb8;
	[tilespmem:$0x2A80] =	vst v63  }
0x13: {  	s13 =	simm.s32 $0x200;
	s14 =	simm.s32 $0x2280;
	s15 =	simm.s32 $0x1  }
0x14: {  	[tilespmem:s14], [sflag:$0x1] =	stream.indirect.gather [hbm4b:s5+s6], $0x10, s13, s6, $0xb8;
	[tilespmem:$0x2A80] =	vst v63  }
0x15: {  	_ =	swait.ge [sflag:s15], $0x800  }
0x16: {  	[sflag:s15] =	ssyncset.done $0x0  }
0x17: {  	[sflag:s15] =	ssyncadd.s32 $0xFFFFF800  }
0x18: {  	_ =	swait.ge [sflag:s15], $0x800  }
0x19: {  	[sflag:s15] =	ssyncset.done $0x0  }
0x1a: {  	[sflag:s15] =	ssyncadd.s32 $0xFFFFF800  }
0x1b: {  	_ =	swait.ge [sflag:s15], $0x800  }
0x1c: {  	[sflag:s15] =	ssyncset.done $0x0  }
0x1d: {  	s16 =	ssub.s32 $0x2, s16;
	[sflag:s15] =	ssyncadd.s32 $0xFFFFF800  }
0x1e: {  	s19 =	sshrl.u32 s16, $0x1;
	_ =	swait.ge [sflag:s15], $0x800  }
0x1f: {  	s30 =	ssub.s32 s16, s19;
	[sflag:s15] =	ssyncset.done $0x0  }
0x20: {  	s17 =	smul.u32 $0x500, s17;
	s31 =	smax.u32 s30, $0x1;
	[sflag:s15] =	ssyncadd.s32 $0xFFFFF800  }
0x21: {  	p0 =	sne.s32 s31, $0x1;
	_ =	swait.ge [sflag:s15], $0x800  }
.Ltmp0:
0x22: {  	s17 =	sadd.s32 s17, s18;
	[sflag:s15] =	ssyncset.done $0x0;
	(pc) =	sbr.rel @!p0 .LBB2_2-.Ltmp0, $4  }
0x23: {  	s16 =	sadd.s32 $0x32000, s17;
	[sflag:s15] =	ssyncadd.s32 $0xFFFFF800  }
0x24: {  	[hbm4b:s16+s2] =	stream.linear.scatter [tilespmem:s7], [sflag:$0x2], $0x2800, $0x38;
	[tilespmem:$0x2A80] =	vst v63  }
0x25: {  	_ =	swait.ge [sflag:s3], $0x2800  }
0x26: {  	s17 =	sadd.s32 $0xFFFFFFFF, s31;
	[sflag:s3] =	ssyncset.done $0x0  }
.LBB2_1:
0x27: {  	p0 =	sne.s32 s17, $0x1;
	s17 =	sadd.s32 $0xFFFFFFFF, s17;
	[sflag:s3] =	ssyncadd.s32 $0xFFFFD800  }
0x28: {  	[tilespmem:s2], [sflag:$0x2] =	stream.linear.gather [hbm4b:s4+s2], $0x280, $0x38;
	[tilespmem:$0x2A80] =	vst v63  }
0x29: {  	_ =	swait.ge [sflag:s3], $0x280  }
0x2a: {  	[sflag:s3] =	ssyncset.done $0x0  }
0x2b: {  	[sflag:s3] =	ssyncadd.s32 $0xFFFFFD80  }
0x2c: {  	[tilespmem:s7], [sflag:$0x1] =	stream.indirect.gather [hbm4b:s5+s6], $0x10, s2, s6, $0xb8;
	[tilespmem:$0x2A80] =	vst v63  }
0x2d: {  	_ = 	snop  }
0x2e: {  	[tilespmem:s8], [sflag:$0x1] =	stream.indirect.gather [hbm4b:s5+s6], $0x10, s6, s6, $0xb8;
	[tilespmem:$0x2A80] =	vst v63  }
0x2f: {  	_ = 	snop  }
0x30: {  	[tilespmem:s10], [sflag:$0x1] =	stream.indirect.gather [hbm4b:s5+s6], $0x10, s9, s6, $0xb8;
	[tilespmem:$0x2A80] =	vst v63  }
0x31: {  	_ = 	snop  }
0x32: {  	[tilespmem:s12], [sflag:$0x1] =	stream.indirect.gather [hbm4b:s5+s6], $0x10, s11, s6, $0xb8;
	[tilespmem:$0x2A80] =	vst v63  }
0x33: {  	_ = 	snop  }
0x34: {  	[tilespmem:s14], [sflag:$0x1] =	stream.indirect.gather [hbm4b:s5+s6], $0x10, s13, s6, $0xb8;
	[tilespmem:$0x2A80] =	vst v63  }
0x35: {  	_ =	swait.ge [sflag:s15], $0x800  }
0x36: {  	[sflag:s15] =	ssyncset.done $0x0  }
0x37: {  	[sflag:s15] =	ssyncadd.s32 $0xFFFFF800  }
0x38: {  	_ =	swait.ge [sflag:s15], $0x800  }
0x39: {  	[sflag:s15] =	ssyncset.done $0x0  }
0x3a: {  	[sflag:s15] =	ssyncadd.s32 $0xFFFFF800  }
0x3b: {  	_ =	swait.ge [sflag:s15], $0x800  }
0x3c: {  	[sflag:s15] =	ssyncset.done $0x0  }
0x3d: {  	[sflag:s15] =	ssyncadd.s32 $0xFFFFF800  }
0x3e: {  	_ =	swait.ge [sflag:s15], $0x800  }
0x3f: {  	[sflag:s15] =	ssyncset.done $0x0  }
0x40: {  	[sflag:s15] =	ssyncadd.s32 $0xFFFFF800  }
0x41: {  	_ =	swait.ge [sflag:s15], $0x800  }
.Ltmp1:
0x42: {  	[sflag:s15] =	ssyncset.done $0x0;
	(pc) =	sbr.rel @p0 .LBB2_1-.Ltmp1, $4  }
0x43: {  	[sflag:s15] =	ssyncadd.s32 $0xFFFFF800  }
0x44: {  	[hbm4b:s16+s2] =	stream.linear.scatter [tilespmem:s7], [sflag:$0x2], $0x2800, $0x38;
	[tilespmem:$0x2A80] =	vst v63  }
0x45: {  	_ =	swait.ge [sflag:s3], $0x2800  }
0x46: {  	[sflag:s3] =	ssyncset.done $0x0  }
.LBB2_2:
0x47: {  	[sflag:s3] =	ssyncadd.s32 $0xFFFFD800  }
0x48: {  	_ =	sfence.sel $0x180000  }
0x49: {  	[bflag:$0x0] =	sbarrier.arrive $0xFFFF  }
0x4a: {  	p0 =	sne.s32 s0, $0x0;
	_ =	strace $0x90000047  }
0x4b: {  	s0 =	sadd.s32 @!p0 $0x100000, s1;
	[bflag:$0x2] =	sbarrier.arrive $0xFFFF  }
0x4c: {  	[sflag:s0] =	ssyncadd.tile.s32 @!p0 $0x1;
	_ =	shalt  }
.Lfunc_end2:
_tile_overlayer_lowered:
.L_overlay_start_2:
0x4d: {  	(tag) =	ssettag $0x2  }
0x4e: {  	s0 =	rddreg [dreg:$0x0];
	s2 =	stileid.u32  }
0x4f: {  	s1 =	rddreg [dreg:$0x1];
	p0 =	sne.s32 s2, $0x0  }
0x50: {  	s3 =	rddreg [dreg:$0x2];
	[bflag:$0x3] =	sbarrier.arrive $0xFFFF;
	s2 =	simm.s32 @!p0 $0x1C02  }
0x51: {  	[timem:s3], [sflag:s2] =	dma.local @!p0 [hbm:s0], s1  }
0x52: {  	s0 =	simm.s32 @!p0 $0x2  }
0x53: {  	_ =	swait.ge @!p0 [sflag:s0], s1  }
0x54: {  	s1 =	ssub.s32 @!p0 $0x0, s1;
	[sflag:s0] =	ssyncset.done @!p0 $0x0  }
0x55: {  	[sflag:s0] =	ssyncadd.s32 @!p0 s1  }
0x56: {  	[bflag:$0x3] =	sbarrier.arrive $0xFFFF  }
0x57: {  	_ =	shalt  }

</sc_bundles>
